<compile_context>
chip_gen: v7x
topology: tpu7x:2x2x1
jax: 0.10.2.dev20260603
libtpu: 0.0.44.dev20260713+nightly
codegen_flags: <defaults>
</compile_context>

<pallas_src>
import jax
import jax.numpy as jnp
from jax import lax
from jax.experimental import pallas as pl
from jax.experimental.pallas import tpu as pltpu
from jax.experimental.pallas import tpu_sc as plsc

B, S, D = 4, 8192, 2048
L = 16
UNROLL = 4
STEPS = D // (L * UNROLL)


def _rne_bf16(x):
    u = lax.bitcast_convert_type(x, jnp.uint32)
    r = (u + jnp.uint32(0x7FFF) + ((u >> jnp.uint32(16)) & jnp.uint32(1))) \
        & jnp.uint32(0xFFFF0000)
    return lax.bitcast_convert_type(r, jnp.float32)


def _sc_body(hs_hbm, idx_hbm, w_hbm, b_hbm, out_hbm,
             idx_v, rows_v, w_v, bias_v, out_v, gsem, wsem):
    wcopy = pltpu.async_copy(w_hbm, w_v, wsem)
    bcopy = pltpu.async_copy(b_hbm, bias_v.at[pl.ds(0, 1)], wsem)
    pltpu.sync_copy(idx_hbm, idx_v.at[pl.ds(0, B)])
    lanes = lax.iota(jnp.int32, L)
    vec = idx_v[...]
    vec = jnp.where(lanes < B, vec + lanes * S, 0)
    idx_v[...] = vec
    gather = pltpu.async_copy(hs_hbm.at[idx_v.at[pl.ds(0, B)]], rows_v, gsem)
    wcopy.wait()
    bcopy.wait()

    def wstep(j, carry):
        for u in range(UNROLL):
            off = (j * UNROLL + u) * L
            w_v[pl.ds(off, L)] = _rne_bf16(w_v[pl.ds(off, L)])
        return carry

    lax.fori_loop(0, STEPS, wstep, 0)
    gather.wait()

    zero = jnp.zeros((L,), jnp.float32)

    @plsc.parallel_loop(0, D // L, unroll=UNROLL, carry=(zero,) * B)
    def accs(j, accs):
        accs = list(accs)
        off = j * L
        wch = w_v[pl.ds(off, L)]
        for i in range(B):
            accs[i] = accs[i] + _rne_bf16(rows_v[i, pl.ds(off, L)]) * wch
        return tuple(accs)

    bias = bias_v[...][0]
    outvec = jnp.zeros((L,), jnp.float32)
    for i in range(B):
        s_i = jnp.sum(accs[i]) + bias
        outvec = jnp.where(lanes == i, s_i, outvec)
    out_v[...] = outvec
    pltpu.sync_copy(out_v.at[pl.ds(0, B)], out_hbm)


def kernel(hidden_states, mask_indices, W, b):
    flat = hidden_states.reshape(B * S, D)
    mesh = plsc.VectorSubcoreMesh(core_axis_name="c", subcore_axis_name="s",
                                  num_cores=1, num_subcores=1)
    f = pl.kernel(
        _sc_body,
        mesh=mesh,
        out_type=jax.ShapeDtypeStruct((B,), jnp.float32),
        compiler_params=pltpu.CompilerParams(
            needs_layout_passes=False,
            skip_device_barrier=True,
            disable_bounds_checks=True,
            disable_semaphore_checks=True,
        ),
        scratch_types=[
            pltpu.VMEM((L,), jnp.int32),
            pltpu.VMEM((B, D), jnp.float32),
            pltpu.VMEM((D,), jnp.float32),
            pltpu.VMEM((L,), jnp.float32),
            pltpu.VMEM((L,), jnp.float32),
            pltpu.SemaphoreType.DMA,
            pltpu.SemaphoreType.DMA,
        ],
    )
    return f(flat, mask_indices.astype(jnp.int32), W.reshape(D), b)

# --- scband reference (transcript-rebuilt; emitter-appended) ---
"""Pipeline reference for scband-pretrain-head-84267258347877 (READ-ONLY COPY).

The authoritative reference and input builder live on the scoring server;
editing this copy changes nothing except your own understanding.
"""

import jax, jax.numpy as jnp
import numpy as np

B, S, D = 4, 8192, 2048

def setup_inputs(seed: int = 0) -> dict:
    key = jax.random.key(seed)
    k1, k2, k3 = jax.random.split(key, 3)
    hidden_states = jax.random.normal(k1, (B, S, D), dtype=jnp.float32)
    mask_indices = jax.random.randint(k2, (B,), 0, S, dtype=jnp.int64) if jax.config.jax_enable_x64 else jax.random.randint(k2, (B,), 0, S).astype(jnp.int32)
    # nn.Linear(d_model, 1): weight [1, D], bias [1]
    bound = 1.0 / np.sqrt(D)
    W = jax.random.uniform(k3, (1, D), dtype=jnp.float32, minval=-bound, maxval=bound)
    b = jnp.zeros((1,), dtype=jnp.float32)
    return {"hidden_states": hidden_states, "mask_indices": mask_indices, "W": W, "b": b}

def reference(hidden_states, mask_indices, W, b):
    # batch_idx = arange(B); gather one token per batch row
    batch_idx = jnp.arange(hidden_states.shape[0])
    masked_hidden = hidden_states[batch_idx, mask_indices]  # [B, D]
    out = masked_hidden @ W.T + b  # [B, 1]
    return jnp.squeeze(out, axis=-1)  # [B]

if __name__ == "__main__":
    import jax
    _d = setup_inputs()
    print(jax.jit(kernel)(*tuple(_d.values())))

</pallas_src>

<mosaic_0001>
#map = affine_map<(d0, d1) -> (0, 0)>
#map1 = affine_map<(d0, d1) -> (0)>
module attributes {stable_mosaic.version = 14 : i64} {
  func.func @_sc_body(%arg0: i32, %arg1: i32, %arg2: memref<32768x2048xf32, #tpu.memory_space<hbm>>, %arg3: memref<4xi32, #tpu.memory_space<hbm>>, %arg4: memref<2048xf32, #tpu.memory_space<hbm>>, %arg5: memref<1xf32, #tpu.memory_space<hbm>>, %arg6: memref<4xf32, #tpu.memory_space<hbm>>, %arg7: memref<16xi32, #tpu.memory_space<vmem>>, %arg8: memref<4x2048xf32, #tpu.memory_space<vmem>>, %arg9: memref<2048xf32, #tpu.memory_space<vmem>>, %arg10: memref<16xf32, #tpu.memory_space<vmem>>, %arg11: memref<16xf32, #tpu.memory_space<vmem>>, %arg12: memref<!tpu.dma_semaphore, #tpu.memory_space<semaphore_mem>>, %arg13: memref<!tpu.dma_semaphore, #tpu.memory_space<semaphore_mem>>) attributes {dimension_semantics = [#tpu.dimension_semantics<core_parallel>, #tpu.dimension_semantics<subcore_parallel>], iteration_bounds = array<i64: 1, 1>, scalar_prefetch = 0 : i64, scratch_operands = 7 : i64, tpu.core_type = #tpu.core_type<sc_vector_subcore>, window_params = [{transform_indices = #map}, {transform_indices = #map1}, {transform_indices = #map1}, {transform_indices = #map1}, {transform_indices = #map1}]} {
    tpu.enqueue_dma source(%arg4 : memref<2048xf32, #tpu.memory_space<hbm>>) target(%arg9 : memref<2048xf32, #tpu.memory_space<vmem>>) target_semaphore(%arg13 : memref<!tpu.dma_semaphore, #tpu.memory_space<semaphore_mem>>)
    %dma_start3A = arith.constant 0 : i32
    %dma_start3A_0 = tpu.memref_slice %arg10[%dma_start3A] : memref<16xf32, #tpu.memory_space<vmem>> -> memref<1xf32, #tpu.memory_space<vmem>>
    %dma_start3A_1 = arith.constant 0 : i32
    %dma_start3A_2 = tpu.memref_slice %arg10[%dma_start3A_1] : memref<16xf32, #tpu.memory_space<vmem>> -> memref<1xf32, #tpu.memory_space<vmem>>
    tpu.enqueue_dma source(%arg5 : memref<1xf32, #tpu.memory_space<hbm>>) target(%dma_start3A_2 : memref<1xf32, #tpu.memory_space<vmem>>) target_semaphore(%arg13 : memref<!tpu.dma_semaphore, #tpu.memory_space<semaphore_mem>>)
    "tpu.region"() ({
      %run_scoped3A = tpu.sem_alloc : memref<!tpu.dma_semaphore, #tpu.memory_space<semaphore_mem>>
      %dma_start3A_76 = arith.constant 0 : i32
      %dma_start3A_77 = tpu.memref_slice %arg7[%dma_start3A_76] : memref<16xi32, #tpu.memory_space<vmem>> -> memref<4xi32, #tpu.memory_space<vmem>>
      %dma_start3A_78 = arith.constant 0 : i32
      %dma_start3A_79 = tpu.memref_slice %arg7[%dma_start3A_78] : memref<16xi32, #tpu.memory_space<vmem>> -> memref<4xi32, #tpu.memory_space<vmem>>
      tpu.enqueue_dma source(%arg3 : memref<4xi32, #tpu.memory_space<hbm>>) target(%dma_start3A_79 : memref<4xi32, #tpu.memory_space<vmem>>) target_semaphore(%run_scoped3A : memref<!tpu.dma_semaphore, #tpu.memory_space<semaphore_mem>>)
      %dma_wait3A_80 = arith.constant 0 : i32
      %dma_wait3A_81 = tpu.memref_slice %arg7[%dma_wait3A_80] : memref<16xi32, #tpu.memory_space<vmem>> -> memref<4xi32, #tpu.memory_space<vmem>>
      %dma_wait3A_82 = arith.constant 0 : i32
      %dma_wait3A_83 = tpu.memref_slice %arg7[%dma_wait3A_82] : memref<16xi32, #tpu.memory_space<vmem>> -> memref<4xi32, #tpu.memory_space<vmem>>
      tpu.wait_dma2 semaphore(%run_scoped3A : memref<!tpu.dma_semaphore, #tpu.memory_space<semaphore_mem>>) src(%arg3 : memref<4xi32, #tpu.memory_space<hbm>>) dst(%dma_wait3A_83 : memref<4xi32, #tpu.memory_space<vmem>>)
      tpu.yield
    }) : () -> ()
    %iota3A = tpu.iota {dimensions = array<i32: 0>} : vector<16xi32>
    %get3A = arith.constant 0 : index
    %get3A_3 = tpu.vector_load %arg7[%get3A] {strides = array<i32>} : memref<16xi32, #tpu.memory_space<vmem>>, vector<16xi32>,
    %lt3A = arith.constant 4 : i32
    %lt3A_4 = vector.broadcast %lt3A : i32 to vector<16xi32>
    %lt3A_5 = arith.cmpi slt, %iota3A, %lt3A_4 : vector<16xi32>
    %mul3A = arith.constant 8192 : i32
    %mul3A_6 = vector.broadcast %mul3A : i32 to vector<16xi32>
    %mul3A_7 = arith.muli %iota3A, %mul3A_6 : vector<16xi32>
    %add3A = arith.addi %get3A_3, %mul3A_7 : vector<16xi32>
    %jit3A = arith.constant 0 : i32
    %broadcast_in_dim3A = vector.broadcast %jit3A : i32 to vector<16xi32>
    %select_n3A = arith.select %lt3A_5, %add3A, %broadcast_in_dim3A : vector<16xi1>, vector<16xi32>
    %swap3A = arith.constant 0 : index
    %swap3A_8 = tpu.vector_load %arg7[%swap3A] {strides = array<i32>} : memref<16xi32, #tpu.memory_space<vmem>>, vector<16xi32>,
    tpu.vector_store %arg7[%swap3A], %select_n3A {strides = array<i32>} : memref<16xi32, #tpu.memory_space<vmem>>, vector<16xi32>,
    %dma_start3A_9 = arith.constant 0 : i32
    %dma_start3A_10 = tpu.memref_slice %arg7[%dma_start3A_9] : memref<16xi32, #tpu.memory_space<vmem>> -> memref<4xi32, #tpu.memory_space<vmem>>
    %dma_start3A_11 = arith.constant 0 : i32
    %dma_start3A_12 = arith.constant 0 : i32
    %dma_start3A_13 = tpu.memref_slice %arg2[%dma_start3A_11, %dma_start3A_12] : memref<32768x2048xf32, #tpu.memory_space<hbm>> -> memref<32768x2048xf32, #tpu.memory_space<hbm>>
    tpu.enqueue_indirect_dma source(%dma_start3A_13 : memref<32768x2048xf32, #tpu.memory_space<hbm>>) target(%arg8 : memref<4x2048xf32, #tpu.memory_space<vmem>>) offsets(%dma_start3A_10 : memref<4xi32, #tpu.memory_space<vmem>>) semaphore(%arg12 : memref<!tpu.dma_semaphore, #tpu.memory_space<semaphore_mem>>)
    tpu.wait_dma2 semaphore(%arg13 : memref<!tpu.dma_semaphore, #tpu.memory_space<semaphore_mem>>) src(%arg4 : memref<2048xf32, #tpu.memory_space<hbm>>) dst(%arg9 : memref<2048xf32, #tpu.memory_space<vmem>>)
    %dma_wait3A = arith.constant 0 : i32
    %dma_wait3A_14 = tpu.memref_slice %arg10[%dma_wait3A] : memref<16xf32, #tpu.memory_space<vmem>> -> memref<1xf32, #tpu.memory_space<vmem>>
    %dma_wait3A_15 = arith.constant 0 : i32
    %dma_wait3A_16 = tpu.memref_slice %arg10[%dma_wait3A_15] : memref<16xf32, #tpu.memory_space<vmem>> -> memref<1xf32, #tpu.memory_space<vmem>>
    tpu.wait_dma2 semaphore(%arg13 : memref<!tpu.dma_semaphore, #tpu.memory_space<semaphore_mem>>) src(%arg5 : memref<1xf32, #tpu.memory_space<hbm>>) dst(%dma_wait3A_16 : memref<1xf32, #tpu.memory_space<vmem>>)
    %scan3A = arith.constant 0 : i32
    %scan3A_17 = arith.constant 0 : i32
    %scan3A_18 = arith.constant 32 : i32
    %scan3A_19 = arith.addi %scan3A_17, %scan3A_18 : i32
    %scan3A_20 = arith.constant 1 : i32
    scf.for %scan3A_76 = %scan3A_17 to %scan3A_19 step %scan3A_20  : i32 {
      %mul3A_77 = arith.constant 4 : i32
      %mul3A_78 = arith.muli %scan3A_76, %mul3A_77 : i32
      %add3A_79 = arith.constant 0 : i32
      %add3A_80 = arith.addi %mul3A_78, %add3A_79 : i32
      %mul3A_81 = arith.constant 16 : i32
      %mul3A_82 = arith.muli %add3A_80, %mul3A_81 : i32
      %get3A_83 = arith.index_cast %mul3A_82 : i32 to index
      %get3A_84 = tpu.vector_load %arg9[%get3A_83] {strides = array<i32>} : memref<2048xf32, #tpu.memory_space<vmem>>, vector<16xf32>,
      %bitcast_convert_type3A = tpu.bitcast %get3A_84 : vector<16xf32> -> vector<16xi32>
      %add3A_85 = arith.constant 32767 : i32
      %add3A_86 = vector.broadcast %add3A_85 : i32 to vector<16xi32>
      %add3A_87 = arith.addi %bitcast_convert_type3A, %add3A_86 : vector<16xi32>
      %shift_right_logical3A = arith.constant 16 : i32
      %shift_right_logical3A_88 = vector.broadcast %shift_right_logical3A : i32 to vector<16xi32>
      %shift_right_logical3A_89 = arith.shrui %bitcast_convert_type3A, %shift_right_logical3A_88 : vector<16xi32>
      %and3A = arith.constant 1 : i32
      %and3A_90 = vector.broadcast %and3A : i32 to vector<16xi32>
      %and3A_91 = arith.andi %shift_right_logical3A_89, %and3A_90 : vector<16xi32>
      %add3A_92 = arith.addi %add3A_87, %and3A_91 : vector<16xi32>
      %and3A_93 = arith.constant -65536 : i32
      %and3A_94 = vector.broadcast %and3A_93 : i32 to vector<16xi32>
      %and3A_95 = arith.andi %add3A_92, %and3A_94 : vector<16xi32>
      %bitcast_convert_type3A_96 = tpu.bitcast %and3A_95 : vector<16xi32> -> vector<16xf32>
      %swap3A_97 = arith.index_cast %mul3A_82 : i32 to index
      %swap3A_98 = tpu.vector_load %arg9[%swap3A_97] {strides = array<i32>} : memref<2048xf32, #tpu.memory_space<vmem>>, vector<16xf32>,
      tpu.vector_store %arg9[%swap3A_97], %bitcast_convert_type3A_96 {strides = array<i32>} : memref<2048xf32, #tpu.memory_space<vmem>>, vector<16xf32>,
      %mul3A_99 = arith.constant 4 : i32
      %mul3A_100 = arith.muli %scan3A_76, %mul3A_99 : i32
      %add3A_101 = arith.constant 1 : i32
      %add3A_102 = arith.addi %mul3A_100, %add3A_101 : i32
      %mul3A_103 = arith.constant 16 : i32
      %mul3A_104 = arith.muli %add3A_102, %mul3A_103 : i32
      %get3A_105 = arith.index_cast %mul3A_104 : i32 to index
      %get3A_106 = tpu.vector_load %arg9[%get3A_105] {strides = array<i32>} : memref<2048xf32, #tpu.memory_space<vmem>>, vector<16xf32>,
      %bitcast_convert_type3A_107 = tpu.bitcast %get3A_106 : vector<16xf32> -> vector<16xi32>
      %add3A_108 = arith.constant 32767 : i32
      %add3A_109 = vector.broadcast %add3A_108 : i32 to vector<16xi32>
      %add3A_110 = arith.addi %bitcast_convert_type3A_107, %add3A_109 : vector<16xi32>
      %shift_right_logical3A_111 = arith.constant 16 : i32
      %shift_right_logical3A_112 = vector.broadcast %shift_right_logical3A_111 : i32 to vector<16xi32>
      %shift_right_logical3A_113 = arith.shrui %bitcast_convert_type3A_107, %shift_right_logical3A_112 : vector<16xi32>
      %and3A_114 = arith.constant 1 : i32
      %and3A_115 = vector.broadcast %and3A_114 : i32 to vector<16xi32>
      %and3A_116 = arith.andi %shift_right_logical3A_113, %and3A_115 : vector<16xi32>
      %add3A_117 = arith.addi %add3A_110, %and3A_116 : vector<16xi32>
      %and3A_118 = arith.constant -65536 : i32
      %and3A_119 = vector.broadcast %and3A_118 : i32 to vector<16xi32>
      %and3A_120 = arith.andi %add3A_117, %and3A_119 : vector<16xi32>
      %bitcast_convert_type3A_121 = tpu.bitcast %and3A_120 : vector<16xi32> -> vector<16xf32>
      %swap3A_122 = arith.index_cast %mul3A_104 : i32 to index
      %swap3A_123 = tpu.vector_load %arg9[%swap3A_122] {strides = array<i32>} : memref<2048xf32, #tpu.memory_space<vmem>>, vector<16xf32>,
      tpu.vector_store %arg9[%swap3A_122], %bitcast_convert_type3A_121 {strides = array<i32>} : memref<2048xf32, #tpu.memory_space<vmem>>, vector<16xf32>,
      %mul3A_124 = arith.constant 4 : i32
      %mul3A_125 = arith.muli %scan3A_76, %mul3A_124 : i32
      %add3A_126 = arith.constant 2 : i32
      %add3A_127 = arith.addi %mul3A_125, %add3A_126 : i32
      %mul3A_128 = arith.constant 16 : i32
      %mul3A_129 = arith.muli %add3A_127, %mul3A_128 : i32
      %get3A_130 = arith.index_cast %mul3A_129 : i32 to index
      %get3A_131 = tpu.vector_load %arg9[%get3A_130] {strides = array<i32>} : memref<2048xf32, #tpu.memory_space<vmem>>, vector<16xf32>,
      %bitcast_convert_type3A_132 = tpu.bitcast %get3A_131 : vector<16xf32> -> vector<16xi32>
      %add3A_133 = arith.constant 32767 : i32
      %add3A_134 = vector.broadcast %add3A_133 : i32 to vector<16xi32>
      %add3A_135 = arith.addi %bitcast_convert_type3A_132, %add3A_134 : vector<16xi32>
      %shift_right_logical3A_136 = arith.constant 16 : i32
      %shift_right_logical3A_137 = vector.broadcast %shift_right_logical3A_136 : i32 to vector<16xi32>
      %shift_right_logical3A_138 = arith.shrui %bitcast_convert_type3A_132, %shift_right_logical3A_137 : vector<16xi32>
      %and3A_139 = arith.constant 1 : i32
      %and3A_140 = vector.broadcast %and3A_139 : i32 to vector<16xi32>
      %and3A_141 = arith.andi %shift_right_logical3A_138, %and3A_140 : vector<16xi32>
      %add3A_142 = arith.addi %add3A_135, %and3A_141 : vector<16xi32>
      %and3A_143 = arith.constant -65536 : i32
      %and3A_144 = vector.broadcast %and3A_143 : i32 to vector<16xi32>
      %and3A_145 = arith.andi %add3A_142, %and3A_144 : vector<16xi32>
      %bitcast_convert_type3A_146 = tpu.bitcast %and3A_145 : vector<16xi32> -> vector<16xf32>
      %swap3A_147 = arith.index_cast %mul3A_129 : i32 to index
      %swap3A_148 = tpu.vector_load %arg9[%swap3A_147] {strides = array<i32>} : memref<2048xf32, #tpu.memory_space<vmem>>, vector<16xf32>,
      tpu.vector_store %arg9[%swap3A_147], %bitcast_convert_type3A_146 {strides = array<i32>} : memref<2048xf32, #tpu.memory_space<vmem>>, vector<16xf32>,
      %mul3A_149 = arith.constant 4 : i32
      %mul3A_150 = arith.muli %scan3A_76, %mul3A_149 : i32
      %add3A_151 = arith.constant 3 : i32
      %add3A_152 = arith.addi %mul3A_150, %add3A_151 : i32
      %mul3A_153 = arith.constant 16 : i32
      %mul3A_154 = arith.muli %add3A_152, %mul3A_153 : i32
      %get3A_155 = arith.index_cast %mul3A_154 : i32 to index
      %get3A_156 = tpu.vector_load %arg9[%get3A_155] {strides = array<i32>} : memref<2048xf32, #tpu.memory_space<vmem>>, vector<16xf32>,
      %bitcast_convert_type3A_157 = tpu.bitcast %get3A_156 : vector<16xf32> -> vector<16xi32>
      %add3A_158 = arith.constant 32767 : i32
      %add3A_159 = vector.broadcast %add3A_158 : i32 to vector<16xi32>
      %add3A_160 = arith.addi %bitcast_convert_type3A_157, %add3A_159 : vector<16xi32>
      %shift_right_logical3A_161 = arith.constant 16 : i32
      %shift_right_logical3A_162 = vector.broadcast %shift_right_logical3A_161 : i32 to vector<16xi32>
      %shift_right_logical3A_163 = arith.shrui %bitcast_convert_type3A_157, %shift_right_logical3A_162 : vector<16xi32>
      %and3A_164 = arith.constant 1 : i32
      %and3A_165 = vector.broadcast %and3A_164 : i32 to vector<16xi32>
      %and3A_166 = arith.andi %shift_right_logical3A_163, %and3A_165 : vector<16xi32>
      %add3A_167 = arith.addi %add3A_160, %and3A_166 : vector<16xi32>
      %and3A_168 = arith.constant -65536 : i32
      %and3A_169 = vector.broadcast %and3A_168 : i32 to vector<16xi32>
      %and3A_170 = arith.andi %add3A_167, %and3A_169 : vector<16xi32>
      %bitcast_convert_type3A_171 = tpu.bitcast %and3A_170 : vector<16xi32> -> vector<16xf32>
      %swap3A_172 = arith.index_cast %mul3A_154 : i32 to index
      %swap3A_173 = tpu.vector_load %arg9[%swap3A_172] {strides = array<i32>} : memref<2048xf32, #tpu.memory_space<vmem>>, vector<16xf32>,
      tpu.vector_store %arg9[%swap3A_172], %bitcast_convert_type3A_171 {strides = array<i32>} : memref<2048xf32, #tpu.memory_space<vmem>>, vector<16xf32>,
    }
    %scan3A_21 = arith.constant 32 : i32
    %dma_wait3A_22 = arith.constant 0 : i32
    %dma_wait3A_23 = tpu.memref_slice %arg7[%dma_wait3A_22] : memref<16xi32, #tpu.memory_space<vmem>> -> memref<4xi32, #tpu.memory_space<vmem>>
    %dma_wait3A_24 = arith.constant 0 : i32
    %dma_wait3A_25 = arith.constant 0 : i32
    %dma_wait3A_26 = tpu.memref_slice %arg2[%dma_wait3A_24, %dma_wait3A_25] : memref<32768x2048xf32, #tpu.memory_space<hbm>> -> memref<32768x2048xf32, #tpu.memory_space<hbm>>
    tpu.wait_indirect_dma semaphore(%arg12 : memref<!tpu.dma_semaphore, #tpu.memory_space<semaphore_mem>>) src(%dma_wait3A_26 : memref<32768x2048xf32, #tpu.memory_space<hbm>>) dst(%arg8 : memref<4x2048xf32, #tpu.memory_space<vmem>>)
    %broadcast_in_dim3A_27 = arith.constant 0.000000e+00 : f32
    %broadcast_in_dim3A_28 = vector.broadcast %broadcast_in_dim3A_27 : f32 to vector<16xf32>
    %parallel_loop3A = arith.constant 0 : i32
    %parallel_loop3A_29 = arith.constant 128 : i32
    %parallel_loop3A_30 = arith.constant 1 : i32
    %parallel_loop3A_31:4 = scf.for %parallel_loop3A_76 = %parallel_loop3A to %parallel_loop3A_29 step %parallel_loop3A_30 iter_args(%parallel_loop3A_77 = %broadcast_in_dim3A_28, %parallel_loop3A_78 = %broadcast_in_dim3A_28, %parallel_loop3A_79 = %broadcast_in_dim3A_28, %parallel_loop3A_80 = %broadcast_in_dim3A_28) -> (vector<16xf32>, vector<16xf32>, vector<16xf32>, vector<16xf32>)  : i32 {
      %parallel_loop3A_81 = arith.constant 16 : i32
      %parallel_loop3A_82 = arith.muli %parallel_loop3A_76, %parallel_loop3A_81 : i32
      %parallel_loop3A_83 = arith.index_cast %parallel_loop3A_82 : i32 to index
      %parallel_loop3A_84 = tpu.vector_load %arg9[%parallel_loop3A_83] {strides = array<i32>} : memref<2048xf32, #tpu.memory_space<vmem>>, vector<16xf32>,
      %parallel_loop3A_85 = arith.constant 0 : i32
      %parallel_loop3A_86 = arith.index_cast %parallel_loop3A_85 : i32 to index
      %parallel_loop3A_87 = arith.index_cast %parallel_loop3A_82 : i32 to index
      %parallel_loop3A_88 = tpu.vector_load %arg8[%parallel_loop3A_86, %parallel_loop3A_87] {strides = array<i32>} : memref<4x2048xf32, #tpu.memory_space<vmem>>, vector<16xf32>,
      %parallel_loop3A_89 = tpu.bitcast %parallel_loop3A_88 : vector<16xf32> -> vector<16xi32>
      %parallel_loop3A_90 = arith.constant 32767 : i32
      %parallel_loop3A_91 = vector.broadcast %parallel_loop3A_90 : i32 to vector<16xi32>
      %parallel_loop3A_92 = arith.addi %parallel_loop3A_89, %parallel_loop3A_91 : vector<16xi32>
      %parallel_loop3A_93 = arith.constant 16 : i32
      %parallel_loop3A_94 = vector.broadcast %parallel_loop3A_93 : i32 to vector<16xi32>
      %parallel_loop3A_95 = arith.shrui %parallel_loop3A_89, %parallel_loop3A_94 : vector<16xi32>
      %parallel_loop3A_96 = arith.constant 1 : i32
      %parallel_loop3A_97 = vector.broadcast %parallel_loop3A_96 : i32 to vector<16xi32>
      %parallel_loop3A_98 = arith.andi %parallel_loop3A_95, %parallel_loop3A_97 : vector<16xi32>
      %parallel_loop3A_99 = arith.addi %parallel_loop3A_92, %parallel_loop3A_98 : vector<16xi32>
      %parallel_loop3A_100 = arith.constant -65536 : i32
      %parallel_loop3A_101 = vector.broadcast %parallel_loop3A_100 : i32 to vector<16xi32>
      %parallel_loop3A_102 = arith.andi %parallel_loop3A_99, %parallel_loop3A_101 : vector<16xi32>
      %parallel_loop3A_103 = tpu.bitcast %parallel_loop3A_102 : vector<16xi32> -> vector<16xf32>
      %parallel_loop3A_104 = arith.mulf %parallel_loop3A_103, %parallel_loop3A_84 : vector<16xf32>
      %parallel_loop3A_105 = arith.addf %parallel_loop3A_77, %parallel_loop3A_104 : vector<16xf32>
      %parallel_loop3A_106 = arith.constant 1 : i32
      %parallel_loop3A_107 = arith.index_cast %parallel_loop3A_106 : i32 to index
      %parallel_loop3A_108 = arith.index_cast %parallel_loop3A_82 : i32 to index
      %parallel_loop3A_109 = tpu.vector_load %arg8[%parallel_loop3A_107, %parallel_loop3A_108] {strides = array<i32>} : memref<4x2048xf32, #tpu.memory_space<vmem>>, vector<16xf32>,
      %parallel_loop3A_110 = tpu.bitcast %parallel_loop3A_109 : vector<16xf32> -> vector<16xi32>
      %parallel_loop3A_111 = arith.constant 32767 : i32
      %parallel_loop3A_112 = vector.broadcast %parallel_loop3A_111 : i32 to vector<16xi32>
      %parallel_loop3A_113 = arith.addi %parallel_loop3A_110, %parallel_loop3A_112 : vector<16xi32>
      %parallel_loop3A_114 = arith.constant 16 : i32
      %parallel_loop3A_115 = vector.broadcast %parallel_loop3A_114 : i32 to vector<16xi32>
      %parallel_loop3A_116 = arith.shrui %parallel_loop3A_110, %parallel_loop3A_115 : vector<16xi32>
      %parallel_loop3A_117 = arith.constant 1 : i32
      %parallel_loop3A_118 = vector.broadcast %parallel_loop3A_117 : i32 to vector<16xi32>
      %parallel_loop3A_119 = arith.andi %parallel_loop3A_116, %parallel_loop3A_118 : vector<16xi32>
      %parallel_loop3A_120 = arith.addi %parallel_loop3A_113, %parallel_loop3A_119 : vector<16xi32>
      %parallel_loop3A_121 = arith.constant -65536 : i32
      %parallel_loop3A_122 = vector.broadcast %parallel_loop3A_121 : i32 to vector<16xi32>
      %parallel_loop3A_123 = arith.andi %parallel_loop3A_120, %parallel_loop3A_122 : vector<16xi32>
      %parallel_loop3A_124 = tpu.bitcast %parallel_loop3A_123 : vector<16xi32> -> vector<16xf32>
      %parallel_loop3A_125 = arith.mulf %parallel_loop3A_124, %parallel_loop3A_84 : vector<16xf32>
      %parallel_loop3A_126 = arith.addf %parallel_loop3A_78, %parallel_loop3A_125 : vector<16xf32>
      %parallel_loop3A_127 = arith.constant 2 : i32
      %parallel_loop3A_128 = arith.index_cast %parallel_loop3A_127 : i32 to index
      %parallel_loop3A_129 = arith.index_cast %parallel_loop3A_82 : i32 to index
      %parallel_loop3A_130 = tpu.vector_load %arg8[%parallel_loop3A_128, %parallel_loop3A_129] {strides = array<i32>} : memref<4x2048xf32, #tpu.memory_space<vmem>>, vector<16xf32>,
      %parallel_loop3A_131 = tpu.bitcast %parallel_loop3A_130 : vector<16xf32> -> vector<16xi32>
      %parallel_loop3A_132 = arith.constant 32767 : i32
      %parallel_loop3A_133 = vector.broadcast %parallel_loop3A_132 : i32 to vector<16xi32>
      %parallel_loop3A_134 = arith.addi %parallel_loop3A_131, %parallel_loop3A_133 : vector<16xi32>
      %parallel_loop3A_135 = arith.constant 16 : i32
      %parallel_loop3A_136 = vector.broadcast %parallel_loop3A_135 : i32 to vector<16xi32>
      %parallel_loop3A_137 = arith.shrui %parallel_loop3A_131, %parallel_loop3A_136 : vector<16xi32>
      %parallel_loop3A_138 = arith.constant 1 : i32
      %parallel_loop3A_139 = vector.broadcast %parallel_loop3A_138 : i32 to vector<16xi32>
      %parallel_loop3A_140 = arith.andi %parallel_loop3A_137, %parallel_loop3A_139 : vector<16xi32>
      %parallel_loop3A_141 = arith.addi %parallel_loop3A_134, %parallel_loop3A_140 : vector<16xi32>
      %parallel_loop3A_142 = arith.constant -65536 : i32
      %parallel_loop3A_143 = vector.broadcast %parallel_loop3A_142 : i32 to vector<16xi32>
      %parallel_loop3A_144 = arith.andi %parallel_loop3A_141, %parallel_loop3A_143 : vector<16xi32>
      %parallel_loop3A_145 = tpu.bitcast %parallel_loop3A_144 : vector<16xi32> -> vector<16xf32>
      %parallel_loop3A_146 = arith.mulf %parallel_loop3A_145, %parallel_loop3A_84 : vector<16xf32>
      %parallel_loop3A_147 = arith.addf %parallel_loop3A_79, %parallel_loop3A_146 : vector<16xf32>
      %parallel_loop3A_148 = arith.constant 3 : i32
      %parallel_loop3A_149 = arith.index_cast %parallel_loop3A_148 : i32 to index
      %parallel_loop3A_150 = arith.index_cast %parallel_loop3A_82 : i32 to index
      %parallel_loop3A_151 = tpu.vector_load %arg8[%parallel_loop3A_149, %parallel_loop3A_150] {strides = array<i32>} : memref<4x2048xf32, #tpu.memory_space<vmem>>, vector<16xf32>,
      %parallel_loop3A_152 = tpu.bitcast %parallel_loop3A_151 : vector<16xf32> -> vector<16xi32>
      %parallel_loop3A_153 = arith.constant 32767 : i32
      %parallel_loop3A_154 = vector.broadcast %parallel_loop3A_153 : i32 to vector<16xi32>
      %parallel_loop3A_155 = arith.addi %parallel_loop3A_152, %parallel_loop3A_154 : vector<16xi32>
      %parallel_loop3A_156 = arith.constant 16 : i32
      %parallel_loop3A_157 = vector.broadcast %parallel_loop3A_156 : i32 to vector<16xi32>
      %parallel_loop3A_158 = arith.shrui %parallel_loop3A_152, %parallel_loop3A_157 : vector<16xi32>
      %parallel_loop3A_159 = arith.constant 1 : i32
      %parallel_loop3A_160 = vector.broadcast %parallel_loop3A_159 : i32 to vector<16xi32>
      %parallel_loop3A_161 = arith.andi %parallel_loop3A_158, %parallel_loop3A_160 : vector<16xi32>
      %parallel_loop3A_162 = arith.addi %parallel_loop3A_155, %parallel_loop3A_161 : vector<16xi32>
      %parallel_loop3A_163 = arith.constant -65536 : i32
      %parallel_loop3A_164 = vector.broadcast %parallel_loop3A_163 : i32 to vector<16xi32>
      %parallel_loop3A_165 = arith.andi %parallel_loop3A_162, %parallel_loop3A_164 : vector<16xi32>
      %parallel_loop3A_166 = tpu.bitcast %parallel_loop3A_165 : vector<16xi32> -> vector<16xf32>
      %parallel_loop3A_167 = arith.mulf %parallel_loop3A_166, %parallel_loop3A_84 : vector<16xf32>
      %parallel_loop3A_168 = arith.addf %parallel_loop3A_80, %parallel_loop3A_167 : vector<16xf32>
      scf.yield %parallel_loop3A_105, %parallel_loop3A_126, %parallel_loop3A_147, %parallel_loop3A_168 : vector<16xf32>, vector<16xf32>, vector<16xf32>, vector<16xf32>
    } {sc.loop_unroll_factor = 4 : i64, sc.parallel_access}
    %get3A_32 = arith.constant 0 : index
    %get3A_33 = tpu.vector_load %arg10[%get3A_32] {strides = array<i32>} : memref<16xf32, #tpu.memory_space<vmem>>, vector<16xf32>,
    %slice3A = vector.extract_strided_slice %get3A_33 {offsets = [0], sizes = [1], strides = [1]} : vector<16xf32> to vector<1xf32>
    %squeeze3A = vector.extract %slice3A[0] : f32 from vector<1xf32>
    %broadcast_in_dim3A_34 = arith.constant 0.000000e+00 : f32
    %broadcast_in_dim3A_35 = vector.broadcast %broadcast_in_dim3A_34 : f32 to vector<16xf32>
    %reduce_sum3A = arith.constant true
    %reduce_sum3A_36 = vector.broadcast %reduce_sum3A : i1 to vector<16xi1>
    %reduce_sum3A_37 = tpu.scan <sum>, %parallel_loop3A_31#0 masked %reduce_sum3A_36 : vector<16xf32>, vector<16xi1> -> vector<16xf32>
    %reduce_sum3A_38 = vector.extract %reduce_sum3A_37[15] : f32 from vector<16xf32>
    %add3A_39 = arith.addf %reduce_sum3A_38, %squeeze3A : f32
    %eq3A = arith.constant 0 : i32
    %eq3A_40 = vector.broadcast %eq3A : i32 to vector<16xi32>
    %eq3A_41 = arith.cmpi eq, %iota3A, %eq3A_40 : vector<16xi32>
    %broadcast_in_dim3A_42 = vector.broadcast %add3A_39 : f32 to vector<16xf32>
    %select_n3A_43 = arith.select %eq3A_41, %broadcast_in_dim3A_42, %broadcast_in_dim3A_35 : vector<16xi1>, vector<16xf32>
    %reduce_sum3A_44 = arith.constant true
    %reduce_sum3A_45 = vector.broadcast %reduce_sum3A_44 : i1 to vector<16xi1>
    %reduce_sum3A_46 = tpu.scan <sum>, %parallel_loop3A_31#1 masked %reduce_sum3A_45 : vector<16xf32>, vector<16xi1> -> vector<16xf32>
    %reduce_sum3A_47 = vector.extract %reduce_sum3A_46[15] : f32 from vector<16xf32>
    %add3A_48 = arith.addf %reduce_sum3A_47, %squeeze3A : f32
    %eq3A_49 = arith.constant 1 : i32
    %eq3A_50 = vector.broadcast %eq3A_49 : i32 to vector<16xi32>
    %eq3A_51 = arith.cmpi eq, %iota3A, %eq3A_50 : vector<16xi32>
    %broadcast_in_dim3A_52 = vector.broadcast %add3A_48 : f32 to vector<16xf32>
    %select_n3A_53 = arith.select %eq3A_51, %broadcast_in_dim3A_52, %select_n3A_43 : vector<16xi1>, vector<16xf32>
    %reduce_sum3A_54 = arith.constant true
    %reduce_sum3A_55 = vector.broadcast %reduce_sum3A_54 : i1 to vector<16xi1>
    %reduce_sum3A_56 = tpu.scan <sum>, %parallel_loop3A_31#2 masked %reduce_sum3A_55 : vector<16xf32>, vector<16xi1> -> vector<16xf32>
    %reduce_sum3A_57 = vector.extract %reduce_sum3A_56[15] : f32 from vector<16xf32>
    %add3A_58 = arith.addf %reduce_sum3A_57, %squeeze3A : f32
    %eq3A_59 = arith.constant 2 : i32
    %eq3A_60 = vector.broadcast %eq3A_59 : i32 to vector<16xi32>
    %eq3A_61 = arith.cmpi eq, %iota3A, %eq3A_60 : vector<16xi32>
    %broadcast_in_dim3A_62 = vector.broadcast %add3A_58 : f32 to vector<16xf32>
    %select_n3A_63 = arith.select %eq3A_61, %broadcast_in_dim3A_62, %select_n3A_53 : vector<16xi1>, vector<16xf32>
    %reduce_sum3A_64 = arith.constant true
    %reduce_sum3A_65 = vector.broadcast %reduce_sum3A_64 : i1 to vector<16xi1>
    %reduce_sum3A_66 = tpu.scan <sum>, %parallel_loop3A_31#3 masked %reduce_sum3A_65 : vector<16xf32>, vector<16xi1> -> vector<16xf32>
    %reduce_sum3A_67 = vector.extract %reduce_sum3A_66[15] : f32 from vector<16xf32>
    %add3A_68 = arith.addf %reduce_sum3A_67, %squeeze3A : f32
    %eq3A_69 = arith.constant 3 : i32
    %eq3A_70 = vector.broadcast %eq3A_69 : i32 to vector<16xi32>
    %eq3A_71 = arith.cmpi eq, %iota3A, %eq3A_70 : vector<16xi32>
    %broadcast_in_dim3A_72 = vector.broadcast %add3A_68 : f32 to vector<16xf32>
    %select_n3A_73 = arith.select %eq3A_71, %broadcast_in_dim3A_72, %select_n3A_63 : vector<16xi1>, vector<16xf32>
    %swap3A_74 = arith.constant 0 : index
    %swap3A_75 = tpu.vector_load %arg11[%swap3A_74] {strides = array<i32>} : memref<16xf32, #tpu.memory_space<vmem>>, vector<16xf32>,
    tpu.vector_store %arg11[%swap3A_74], %select_n3A_73 {strides = array<i32>} : memref<16xf32, #tpu.memory_space<vmem>>, vector<16xf32>,
    "tpu.region"() ({
      %run_scoped3A = tpu.sem_alloc : memref<!tpu.dma_semaphore, #tpu.memory_space<semaphore_mem>>
      %dma_start3A_76 = arith.constant 0 : i32
      %dma_start3A_77 = tpu.memref_slice %arg11[%dma_start3A_76] : memref<16xf32, #tpu.memory_space<vmem>> -> memref<4xf32, #tpu.memory_space<vmem>>
      %dma_start3A_78 = arith.constant 0 : i32
      %dma_start3A_79 = tpu.memref_slice %arg11[%dma_start3A_78] : memref<16xf32, #tpu.memory_space<vmem>> -> memref<4xf32, #tpu.memory_space<vmem>>
      tpu.enqueue_dma source(%dma_start3A_79 : memref<4xf32, #tpu.memory_space<vmem>>) target(%arg6 : memref<4xf32, #tpu.memory_space<hbm>>) target_semaphore(%run_scoped3A : memref<!tpu.dma_semaphore, #tpu.memory_space<semaphore_mem>>)
      %dma_wait3A_80 = arith.constant 0 : i32
      %dma_wait3A_81 = tpu.memref_slice %arg11[%dma_wait3A_80] : memref<16xf32, #tpu.memory_space<vmem>> -> memref<4xf32, #tpu.memory_space<vmem>>
      %dma_wait3A_82 = arith.constant 0 : i32
      %dma_wait3A_83 = tpu.memref_slice %arg11[%dma_wait3A_82] : memref<16xf32, #tpu.memory_space<vmem>> -> memref<4xf32, #tpu.memory_space<vmem>>
      tpu.wait_dma2 semaphore(%run_scoped3A : memref<!tpu.dma_semaphore, #tpu.memory_space<semaphore_mem>>) src(%dma_wait3A_83 : memref<4xf32, #tpu.memory_space<vmem>>) dst(%arg6 : memref<4xf32, #tpu.memory_space<hbm>>)
      tpu.yield
    }) : () -> ()
    return
  }
}

</mosaic_0001>

<sc_bundles>
// kernel: kernel.3.cloned.1.call-start
scs
__scs_entry_jumppad:
0x0: {  	(pc) =	sbr.rel $0x88, $3  }
0x1: {  	(tag) =	ssettag $0x0;
	lr =	simm.s32 $0x1  }
0x2: {  	[smem:$0x3F9D] =	sst lr;
	_ =	strace $0xD0000000  }
0x3: {  	_ = 	snop  }
0x4: {  	_ = 	snop  }
0x5: {  	_ = 	snop  }
0x6: {  	_ = 	snop  }
0x7: {  	_ = 	snop  }
__scs_overlays_trampoline_lowered:
0x8: {  	[smem:$0x3FAC] =	sst s0  }
0x9: {  	[smem:$0x3FAD] =	sst s1  }
0xa: {  	[smem:$0x3FAE] =	sst s2  }
0xb: {  	[smem:$0x3FAF] =	sst s3  }
0xc: {  	[smem:$0x3FB0] =	sst s4  }
0xd: {  	[smem:$0x3FB1] =	sst s5  }
0xe: {  	[smem:$0x3FB2] =	sst s6  }
0xf: {  	[smem:$0x3FB3] =	sst s7  }
0x10: {  	[smem:$0x3FB4] =	sst s8  }
0x11: {  	[smem:$0x3FB5] =	sst s9;
	s0 =	simm.s32 @!p0 $0x0  }
0x12: {  	s1 =	sld [smem:$0x3F9B];
	s0 =	simm.s32 @p0 $0x1  }
0x13: {  	[smem:$0x3FB6] =	sst s0;
	s0 =	simm.s32 @!p1 $0x0  }
0x14: {  	s2 =	sld [smem:$0x3F9A];
	s0 =	simm.s32 @p1 $0x1  }
0x15: {  	[smem:$0x3FB7] =	sst s0;
	s0 =	simm.s32 @!p2 $0x0  }
0x16: {  	s3 =	sld [smem:$0x3FDB];
	s0 =	simm.s32 @p2 $0x1  }
0x17: {  	s4 =	simm.s32 $0x1BF5;
	[smem:$0x3FB9] =	sst s0  }
0x18: {  	s0 =	sld [smem:$0x3F9C];
	_ =	swait.ge [sflag:s4], $0x0  }
0x19: {  	s7 =	sld [smem:$0x3F9D]  }
0x1a: {  	s8 =	sadd.s32 $0xFFFFE003, lr  }
0x1b: {  	s9 =	sadd.s32 $0xFFFFFEF7, lr;
	s5 =	simm.s32 $0xFFFFFFFF;
	p2 =	slt.u32 s8, $0xFFFFF086  }
0x1c: {  	p1 =	slt.u32 s9, $0xF7A;
	s5 =	simm.s32 @!p2 $0x0  }
0x1d: {  	s5 =	simm.s32 @p1 $0x1;
	p0 =	seq.s32 s7, s2  }
0x1e: {  	s7 =	smul.u32 @!p0 $0xF7A, s2;
	p2 =	seq.s32 @!p0 s5, $0x0  }
0x1f: {  	s9 =	smul.u32 $0xF7A, s1;
	s8 =	simm.s32 @!p0 $0x1BF5;
	p2 =	por !p2, p0  }
0x20: {  	[sflag:s8] =	ssyncset.s32 @!p0 $0xFFFFF086;
	s6 =	sadd.s32 @!p0 s3, s7;
	s7 =	simm.s32 @!p0 $0x108  }
0x21: {  	s3 =	sadd.s32 s3, s9;
	s6 =	sadd.s32 @!p0 $0x88, s6;
	s7 =	simm.s32 @p2 $0x1082  }
0x22: {  	[simem:s7], [sflag:s8] =	dma.local @!p0 [hbm:s6], $0xF7A  }
0x23: {  	s9 =	sor.u32 $0xD0000000, s2;
	s6 =	simm.s32 $0x108;
	_ =	swait.ge @!p0 [sflag:s8], $0x0  }
0x24: {  	s3 =	sadd.s32 $0x88, s3;
	s6 =	simm.s32 @!p1 $0x1082;
	[sflag:s4] =	ssyncset.s32 $0xFFFFF086  }
0x25: {  	[simem:s6], [sflag:s4] =	dma.local [hbm:s3], $0xF7A  }
0x26: {  	[smem:$0x3F9D] =	sst s1;
	(tag) =	ssettag s2;
	_ =	strace s9  }
0x27: {  	s1 =	sld [smem:$0x3FAD]  }
0x28: {  	s2 =	sld [smem:$0x3FAE]  }
0x29: {  	s4 =	sld [smem:$0x3FB0]  }
0x2a: {  	p0 =	seq.s32 s5, $0x0;
	s5 =	sld [smem:$0x3FB1]  }
0x2b: {  	s6 =	sld [smem:$0x3FB2]  }
0x2c: {  	s7 =	sld [smem:$0x3FB3]  }
0x2d: {  	s3 =	simm.s32 $0x108;
	s8 =	sld [smem:$0x3FB4]  }
0x2e: {  	s3 =	simm.s32 @!p0 $0x1082;
	s9 =	sld [smem:$0x3FB5]  }
0x2f: {  	lr =	sadd.s32 s0, s3;
	s0 =	sld [smem:$0x3FAC]  }
0x30: {  	s3 =	sld [smem:$0x3FAF]  }
0x31: {  	[smem:$0x3FB8] =	sst s10  }
0x32: {  	s10 =	sld [smem:$0x3FB6];
	_ =	sdelay $0x3  }
0x33: {  	p0 =	seq.s32 s10, $0x1;
	s10 =	sld [smem:$0x3FB8];
	_ =	sdelay $0x3  }
0x34: {  	[smem:$0x3FB8] =	sst s10  }
0x35: {  	s10 =	sld [smem:$0x3FB7];
	_ =	sdelay $0x3  }
0x36: {  	p1 =	seq.s32 s10, $0x1;
	s10 =	sld [smem:$0x3FB8];
	_ =	sdelay $0x3  }
0x37: {  	[smem:$0x3FB8] =	sst s10  }
0x38: {  	s10 =	sld [smem:$0x3FB9]  }
0x39: {  	_ = 	snop;
	(pc) =	sbr.ind lr, $3  }
0x3a: {  	_ = 	snop  }
0x3b: {  	_ = 	snop  }
0x3c: {  	p2 =	seq.s32 s10, $0x1;
	s10 =	sld [smem:$0x3FB8]  }
0x3d: {  	_ =	shalt  }
0x3e: {  	_ =	shalt  }
0x3f: {  	_ =	shalt  }
0x40: {  	_ =	shalt  }
0x41: {  	_ =	shalt  }
0x42: {  	_ =	shalt  }
0x43: {  	_ =	shalt  }
0x44: {  	_ =	shalt  }
0x45: {  	_ =	shalt  }
0x46: {  	_ =	shalt  }
0x47: {  	_ =	shalt  }
0x48: {  	_ =	shalt  }
0x49: {  	_ =	shalt  }
0x4a: {  	_ =	shalt  }
0x4b: {  	_ =	shalt  }
0x4c: {  	_ =	shalt  }
0x4d: {  	_ =	shalt  }
0x4e: {  	_ =	shalt  }
0x4f: {  	_ =	shalt  }
0x50: {  	_ =	shalt  }
0x51: {  	_ =	shalt  }
0x52: {  	_ =	shalt  }
0x53: {  	_ =	shalt  }
0x54: {  	_ =	shalt  }
0x55: {  	_ =	shalt  }
0x56: {  	_ =	shalt  }
0x57: {  	_ =	shalt  }
0x58: {  	_ =	shalt  }
0x59: {  	_ =	shalt  }
0x5a: {  	_ =	shalt  }
0x5b: {  	_ =	shalt  }
0x5c: {  	_ =	shalt  }
0x5d: {  	_ =	shalt  }
0x5e: {  	_ =	shalt  }
0x5f: {  	_ =	shalt  }
0x60: {  	_ =	shalt  }
0x61: {  	_ =	shalt  }
0x62: {  	_ =	shalt  }
0x63: {  	_ =	shalt  }
0x64: {  	_ =	shalt  }
0x65: {  	_ =	shalt  }
0x66: {  	_ =	shalt  }
0x67: {  	_ =	shalt  }
0x68: {  	_ =	shalt  }
0x69: {  	_ =	shalt  }
0x6a: {  	_ =	shalt  }
0x6b: {  	_ =	shalt  }
0x6c: {  	_ =	shalt  }
0x6d: {  	_ =	shalt  }
0x6e: {  	_ =	shalt  }
0x6f: {  	_ =	shalt  }
0x70: {  	_ =	shalt  }
0x71: {  	_ =	shalt  }
0x72: {  	_ =	shalt  }
0x73: {  	_ =	shalt  }
0x74: {  	_ =	shalt  }
0x75: {  	_ =	shalt  }
0x76: {  	_ =	shalt  }
0x77: {  	_ =	shalt  }
0x78: {  	_ =	shalt  }
0x79: {  	_ =	shalt  }
0x7a: {  	_ =	shalt  }
0x7b: {  	_ =	shalt  }
0x7c: {  	_ =	shalt  }
0x7d: {  	_ =	shalt  }
0x7e: {  	_ =	shalt  }
0x7f: {  	_ =	shalt  }
0x80: {  	_ =	shalt  }
0x81: {  	_ =	shalt  }
0x82: {  	_ =	shalt  }
0x83: {  	_ =	shalt  }
0x84: {  	_ =	shalt  }
0x85: {  	_ =	shalt  }
0x86: {  	_ =	shalt  }
0x87: {  	_ =	shalt  }
.Lfunc_end0:
.L_simem_size_0:
called_computation_lowered:
.L_overlay_start_0:
0x88: {  	s0 =	sld [smem:$0x3FD9]  }
0x89: {  	s1 =	sld [smem:$0x3FFE];
	_ =	sdelay $0x3  }
0x8a: {  	s0 =	sadd.s32 s1, s0  }
0x8b: {  	[smem:$0x3FC4] =	sst s0  }
0x8c: {  	_ = 	snop  }
0x8d: {  	s0 =	sld [smem:$0x3FC9]  }
0x8e: {  	s17 =	sld [smem:$0x3FC8]  }
0x8f: {  	s2 =	sld [smem:$0x3FC7]  }
0x90: {  	s3 =	sld [smem:$0x3FC6]  }
0x91: {  	s4 =	sld [smem:$0x3FD0];
	(tm) =	ssettm $0x1  }
0x92: {  	s5 =	sld [smem:$0x3FFB];
	_ =	sdelay $0x3  }
0x93: {  	_ =	strace s5  }
0x94: {  	s5 =	sld [smem:$0x3FFC];
	_ =	sdelay $0x3  }
0x95: {  	_ =	strace s5  }
0x96: {  	s5 =	sld [smem:$0x3FFD];
	_ =	sdelay $0x3  }
0x97: {  	_ =	strace s5  }
0x98: {  	_ =	strace $0x8FFFFFFF  }
0x99: {  	s18 =	sld [smem:$0x3FDB];
	_ =	sdelay $0x1  }
0x9a: {  	s6 =	simm.s32 $_scs_section_size  }
0x9b: {  	s7 =	simm.s32 $_size__tile_overlayer_lowered;
	s8 =	simm.s32 $_tile_overlayer_lowered  }
0x9c: {  	s21 =	simm.s32 $0x1BFF;
	s20 =	sshll.u32 s8, $0x1;
	s5 =	sadd.s32 s6, s18  }
0x9d: {  	s9 =	simm.s32 $0x0;
	s19 =	sshll.u32 s7, $0x1;
	s7 =	sadd.s32 s20, s5  }
0x9e: {  	[timem:s9], [sflag:s21] =	dma.local [hbm:s7], s19  }
0x9f: {  	_ =	swait.ge [sflag:s21], s19  }
0xa0: {  	s6 =	ssub.s32 $0x0, s19;
	[sflag:s21] =	ssyncset.done $0x0  }
0xa1: {  	[sflag:s21] =	ssyncadd.s32 s6;
	_ =	sdelay $0x1  }
0xa2: {  	s22 =	simm.s32 $0x1B8B  }
0xa3: {  	_ =	swait.ge [sflag:s22], $0x1  }
0xa4: {  	[sflag:s22] =	ssyncset.done $0x0  }
0xa5: {  	s23 =	simm.s32 $0x1B8E;
	[sflag:s22] =	ssyncadd.s32 $0xFFFFFFFF  }
0xa6: {  	s24 =	simm.s32 $execute0_lowered;
	[smem:$0x3FD2] =	sst s23  }
0xa7: {  	s6 =	sshll.u32 s24, $0x1;
	_ =	strace $0x80000046;
	[dreg:$0x1] =	wrdreg $0xFFFFFFFF  }
0xa8: {  	s25 =	simm.s32 $_size_execute0_lowered;
	s5 =	sadd.s32 s5, s6;
	[dreg:$0x0] =	wrdreg $0x0  }
0xa9: {  	s6 =	sshll.u32 s25, $0x1;
	[dreg:$0x2] =	wrdreg s5  }
0xaa: {  	[dreg:$0x3] =	wrdreg s6  }
0xab: {  	[dreg:$0x4] =	wrdreg $0xC0  }
0xac: {  	_ =	task [dreg:s9], $0x5FFFF  }
0xad: {  	[dreg:$0x1] =	wrdreg $0xFFFFFFFF  }
0xae: {  	[dreg:$0x0] =	wrdreg $0x60  }
0xaf: {  	[dreg:$0x2] =	wrdreg s0  }
0xb0: {  	[dreg:$0x3] =	wrdreg s17  }
0xb1: {  	[dreg:$0x4] =	wrdreg s2  }
0xb2: {  	[dreg:$0x5] =	wrdreg s3  }
0xb3: {  	[dreg:$0x6] =	wrdreg s4  }
0xb4: {  	[dreg:$0x7] =	wrdreg $0x9  }
0xb5: {  	_ =	task.clear_ibuf [dreg:s9], $0x8FFFF;
	_ =	strace $0x90000046  }
0xb6: {  	s26 =	simm.s32 $0x9;
	_ =	strace $0x80000048  }
0xb7: {  	_ =	swait.ge [sflag:s26], $0x1  }
0xb8: {  	[sflag:s26] =	ssyncadd.s32 $0xFFFFFFFF  }
0xb9: {  	_ =	strace $0x90000048  }
0xba: {  	_ =	sfence  }
0xbb: {  	s28 =	sld [smem:$0x0];
	_ =	sdelay $0x1  }
0xbc: {  	s29 =	srdreg.scid  }
0xbd: {  	s30 =	sshll.u32 s29, $0xD;
	s31 =	sshrl.u32 s29, $0x2  }
0xbe: {  	s1 =	sand.u32 $0x1, s29;
	s2 =	sand.u32 $0x4000, s30;
	s0 =	sadd.s32 s31, s28  }
0xbf: {  	s1 =	sor.u32 s2, s1;
	s0 =	sshll.u32 s0, $0x11  }
0xc0: {  	s0 =	sor.u32 s0, s1  }
0xc1: {  	s0 =	sadd.s32 $0x8F2B, s0  }
0xc2: {  	[sflag:s0] =	ssyncadd.remote.s32 $0x1  }
0xc3: {  	_ =	sfence.sel $0xFFFF  }
0xc4: {  	[dreg:$0x0] =	wrdreg $0xFFFFFFFF;
	(pc) =	sbr.abs _section_cstart, $3  }
0xc5: {  	[dreg:$0x1] =	wrdreg $0xFFFFFFFF  }
0xc6: {  	_ =	task.clear_ibuf [dreg:s9], $0x2FFFF;
	_ =	strace $0x9FFFFFFF  }
0xc7: {  	(tm) =	ssettm $0x7FFFFFFF  }
tec
execute0_lowered:
.L_overlay_start_1:
0x0: {  	(tag) =	ssettag $0x1  }
0x1: {  	s6 =	stileid.u32  }
0x2: {  	s2 =	rddreg [dreg:$0x0];
	p0 =	sne.s32 s6, $0x0  }
.Ltmp0:
0x3: {  	s3 =	rddreg [dreg:$0x1];
	(pc) =	sbr.rel @p0 .LBB2_6-.Ltmp0, $4  }
0x4: {  	s5 =	rddreg [dreg:$0x2]  }
0x5: {  	s4 =	rddreg [dreg:$0x3]  }
0x6: {  	s1 =	rddreg [dreg:$0x4]  }
0x7: {  	s0 =	rddreg [dreg:$0x5];
	_ =	strace $0x80000047  }
0x8: {  	s6 =	simm.s32 $0x0;
	s7 =	simm.s32 $0x2080  }
0x9: {  	[tilespmem:s7], [sflag:$0x2] =	stream.linear.gather [hbm4b:s5+s6], $0x800, $0x38;
	[tilespmem:$0x2980] =	vst v63  }
0xa: {  	s21 =	simm.s32 $0x2880  }
0xb: {  	[tilespmem:s21], [sflag:$0x2] =	stream.linear.gather [hbm4b:s4+s6], $0x1, $0x38;
	[tilespmem:$0x2980] =	vst v63  }
0xc: {  	s22 =	simm.s32 $0x3  }
0xd: {  	[tilespmem:s6], [sflag:$0x3] =	stream.linear.gather [hbm4b:s3+s6], $0x4, $0x38;
	[tilespmem:$0x2980] =	vst v63  }
0xe: {  	_ =	swait.ge [sflag:s22], $0x4  }
0xf: {  	[sflag:s22] =	ssyncset.done $0x0  }
0x10: {  	[sflag:s22] =	ssyncadd.s32 $0xFFFFFFFC  }
0x11: {  	v0 =	vld [tilespmem:$0x0];
	_ =	sdelay $0x1  }
0x12: {  	v1 =	vlaneseq.u32  }
0x13: {  	v2 =	vmul.u32 $0x2000, v1;
	_ =	sdelay $0x1  }
0x14: {  	vm0 =	vmmov $0xf;
	v0 =	vadd.s32 v2, v0  }
0x15: {  	v0 =	vnsel vm0, $0x0, v0  }
0x16: {  	[tilespmem:$0x0] =	vst v0  }
0x17: {  	v0 =	vld.msk [tilespmem:$0x0], $0xf;
	_ =	sdelay $0x4  }
0x18: {  	v2 =	vshll.u32 v0, $0x4  }
0x19: {  	v0 =	vand.u32 $0x7, v0;
	v2 =	vand.u32 $0xFFFFFF80, v2  }
0x1a: {  	v0 =	vor.u32 v0, v2;
	v2 =	vand.u32 $0x3, v1;
	v1 =	vshrl.u32 v1, $0x2  }
0x1b: {  	v0 =	vperm.xlane v0, v2;
	v1 =	vmul.u32 $0x8, v1;
	_ =	sdelay $0x1  }
0x1c: {  	v0 =	vadd.s32 v1, v0;
	_ =	sdelay $0x3  }
0x1d: {  	vm15 =	vmmov $0xffff;
	s23 =	simm.s32 $0x80  }
0x1e: {  	[tilespmem:s23], [sflag:$0x1] =	stream.indirect_vreg.gather [hbm4b:s2+s6], $0x80, v0, vm15, $0xb8;
	[tilespmem:$0x2980] =	vst v63  }
0x1f: {  	s24 =	sadd.s32 $0x200, s2;
	s25 =	simm.s32 $0x880  }
0x20: {  	[tilespmem:s25], [sflag:$0x1] =	stream.indirect_vreg.gather [hbm4b:s24+s6], $0x80, v0, vm15, $0xb8;
	[tilespmem:$0x2980] =	vst v63  }
0x21: {  	s26 =	sadd.s32 $0x400, s2;
	s28 =	simm.s32 $0x1080  }
0x22: {  	[tilespmem:s28], [sflag:$0x1] =	stream.indirect_vreg.gather [hbm4b:s26+s6], $0x80, v0, vm15, $0xb8;
	[tilespmem:$0x2980] =	vst v63  }
0x23: {  	s29 =	sadd.s32 $0x600, s2;
	s30 =	simm.s32 $0x1880;
	s31 =	simm.s32 $0x2  }
0x24: {  	[tilespmem:s30], [sflag:$0x1] =	stream.indirect_vreg.gather [hbm4b:s29+s6], $0x80, v0, vm15, $0xb8;
	[tilespmem:$0x2980] =	vst v63  }
0x25: {  	_ =	swait.ge [sflag:s31], $0x800  }
0x26: {  	[sflag:s31] =	ssyncset.done $0x0  }
0x27: {  	[sflag:s31] =	ssyncadd.s32 $0xFFFFF800  }
0x28: {  	_ =	swait.ge [sflag:s31], $0x1  }
0x29: {  	[sflag:s31] =	ssyncset.done $0x0  }
0x2a: {  	s2 =	simm.s32 $0x0;
	[sflag:s31] =	ssyncadd.s32 $0xFFFFFFFF  }
0x2b: {  	v0 =	vld [tilespmem:s2+$0x20B0];
	_ =	sdelay $0x1  }
0x2c: {  	v2 =	vld [tilespmem:s2+$0x2080]  }
0x2d: {  	v1 =	vld [tilespmem:s2+$0x20A0];
	_ =	sdelay $0x1  }
0x2e: {  	v3 =	vshrl.u32 v0, $0x10  }
0x2f: {  	v3 =	vand.u32 $0x1, v3  }
0x30: {  	v5 =	vshrl.u32 v2, $0x10;
	v0 =	vadd.s32 v3, v0  }
0x31: {  	v4 =	vshrl.u32 v1, $0x10;
	v3 =	vand.u32 $0x1, v5;
	v5 =	vadd.s32 $0x7FFF, v0;
	v0 =	vld [tilespmem:s2+$0x2090]  }
0x32: {  	v4 =	vand.u32 $0x1, v4  }
0x33: {  	v4 =	vadd.s32 v4, v1  }
0x34: {  	s4 =	simm.s32 $0x100;
	s3 =	simm.s32 $0x200;
	v1 =	vadd.s32 v3, v2;
	v2 =	vadd.s32 $0x7FFF, v4;
	v3 =	vand.u32 $0xFFFF0000, v5  }
.LBB2_2:
0x35: {  	p1 =	sne.s32 s3, $0x1F00  }
0x36: {  	s5 =	sshra.s32 s4, $0x2;
	v1 =	vadd.s32 $0x7FFF, v1;
	v4 =	vshrl.u32 v0, $0x10;
	v2 =	vand.u32 $0xFFFF0000, v2;
	[tilespmem:s2+$0x20B0] =	vst v3;
	s4 =	smov.u32 s3;
	s3 =	sadd.s32 $0x100, s3  }
0x37: {  	v3 =	vld [tilespmem:s5+$0x20B0];
	v1 =	vand.u32 $0xFFFF0000, v1;
	v4 =	vand.u32 $0x1, v4;
	[tilespmem:s2+$0x20A0] =	vst v2  }
0x38: {  	v2 =	vld [tilespmem:s5+$0x20A0];
	[tilespmem:s2+$0x2080] =	vst v1;
	v0 =	vadd.s32 v4, v0  }
0x39: {  	v1 =	vld [tilespmem:s5+$0x2080];
	v0 =	vadd.s32 $0x7FFF, v0  }
0x3a: {  	v0 =	vand.u32 $0xFFFF0000, v0  }
0x3b: {  	[tilespmem:s2+$0x2090] =	vst v0;
	s2 =	smov.u32 s5  }
.Ltmp1:
0x3c: {  	v0 =	vld [tilespmem:s2+$0x2090];
	v4 =	vshrl.u32 v3, $0x10;
	(pc) =	sbr.rel @p1 .LBB2_2-.Ltmp1, $4  }
0x3d: {  	v5 =	vshrl.u32 v2, $0x10;
	v4 =	vand.u32 $0x1, v4  }
0x3e: {  	v6 =	vshrl.u32 v1, $0x10;
	v5 =	vand.u32 $0x1, v5;
	v3 =	vadd.s32 v4, v3  }
0x3f: {  	v4 =	vand.u32 $0x1, v6;
	v2 =	vadd.s32 v5, v2;
	v3 =	vadd.s32 $0x7FFF, v3  }
0x40: {  	v1 =	vadd.s32 v4, v1;
	v2 =	vadd.s32 $0x7FFF, v2;
	v3 =	vand.u32 $0xFFFF0000, v3  }
0x41: {  	[tilespmem:s2+$0x20B0] =	vst v3;
	v3 =	vshrl.u32 v0, $0x10  }
0x42: {  	s3 =	sshra.s32 s4, $0x2;
	v2 =	vand.u32 $0xFFFF0000, v2;
	v1 =	vadd.s32 $0x7FFF, v1;
	v3 =	vand.u32 $0x1, v3  }
0x43: {  	v4 =	vld [tilespmem:s3+$0x20B0];
	[tilespmem:s2+$0x20A0] =	vst v2;
	v1 =	vand.u32 $0xFFFF0000, v1;
	v0 =	vadd.s32 v3, v0  }
0x44: {  	v2 =	vld [tilespmem:s3+$0x20A0];
	[tilespmem:s2+$0x2080] =	vst v1;
	v0 =	vadd.s32 $0x7FFF, v0  }
0x45: {  	v1 =	vld [tilespmem:s3+$0x2080];
	v0 =	vand.u32 $0xFFFF0000, v0  }
0x46: {  	[tilespmem:s2+$0x2090] =	vst v0  }
0x47: {  	v0 =	vld [tilespmem:s3+$0x2090];
	_ =	sdelay $0x1  }
0x48: {  	v3 =	vshrl.u32 v4, $0x10;
	v5 =	vshrl.u32 v2, $0x10  }
0x49: {  	v3 =	vand.u32 $0x1, v3;
	v6 =	vshrl.u32 v1, $0x10;
	v5 =	vand.u32 $0x1, v5  }
0x4a: {  	v3 =	vadd.s32 v3, v4;
	v4 =	vand.u32 $0x1, v6;
	v2 =	vadd.s32 v5, v2  }
0x4b: {  	v3 =	vadd.s32 $0x7FFF, v3;
	v1 =	vadd.s32 v4, v1;
	v4 =	vshrl.u32 v0, $0x10  }
0x4c: {  	v2 =	vadd.s32 $0x7FFF, v2;
	v3 =	vand.u32 $0xFFFF0000, v3;
	v4 =	vand.u32 $0x1, v4  }
0x4d: {  	v1 =	vadd.s32 $0x7FFF, v1;
	v2 =	vand.u32 $0xFFFF0000, v2;
	[tilespmem:s3+$0x20B0] =	vst v3;
	v0 =	vadd.s32 v4, v0  }
0x4e: {  	v1 =	vand.u32 $0xFFFF0000, v1;
	[tilespmem:s3+$0x20A0] =	vst v2;
	v0 =	vadd.s32 $0x7FFF, v0  }
0x4f: {  	[tilespmem:s3+$0x2080] =	vst v1;
	v0 =	vand.u32 $0xFFFF0000, v0  }
0x50: {  	s6 =	simm.s32 $0x1;
	s5 =	simm.s32 $0x0;
	[tilespmem:s3+$0x2090] =	vst v0  }
0x51: {  	s7 =	sand.u32 $0x40, s5;
	s17 =	sand.u32 $0x1E00, s5;
	_ =	swait.ge [sflag:s6], $0x2000  }
0x52: {  	s8 =	sor.u32 $0x80, s17;
	s18 =	sor.u32 $0x30, s7;
	[sflag:s6] =	ssyncset.done $0x0  }
0x53: {  	s2 =	sor.u32 s18, s8;
	[sflag:s6] =	ssyncadd.s32 $0xFFFFE000  }
0x54: {  	s19 =	sor.u32 $0x20, s7;
	v1 =	vld [tilespmem:s2+$0x0]  }
0x55: {  	s9 =	sor.u32 s19, s8;
	v2 =	vld [tilespmem:s2+$0x80]  }
0x56: {  	s20 =	sor.u32 $0x10, s7;
	v3 =	vld [tilespmem:s9+$0x0]  }
0x57: {  	s10 =	sor.u32 s20, s8;
	v4 =	vld [tilespmem:s9+$0x80]  }
0x58: {  	v5 =	vld [tilespmem:s10+$0x0]  }
0x59: {  	s7 =	sor.u32 s7, s8;
	v6 =	vld [tilespmem:s10+$0x80]  }
0x5a: {  	p1 =	por $0x0, $0x0;
	v7 =	vld [tilespmem:s7+$0x0]  }
0x5b: {  	s6 =	simm.s32 @!p1 $0x0;
	v8 =	vld [tilespmem:s7+$0x80]  }
0x5c: {  	s6 =	sshll.u32 s6, $0x6  }
0x5d: {  	v0 =	vimm.f32 $0.0e+00;
	s6 =	sadd.s32 $0x0, s6  }
0x5e: {  	s21 =	sor.u32 $0x100, s6;
	v11 =	vshrl.u32 v3, $0x10;
	v12 =	vshrl.u32 v1, $0x10;
	v13 =	vshrl.u32 v2, $0x10  }
0x5f: {  	s22 =	sor.u32 $0x180, s6;
	s23 =	sadd.s32 $0x30, s6;
	v9 =	vld [tilespmem:s21+$0x80];
	v15 =	vshrl.u32 v5, $0x10;
	v16 =	vshrl.u32 v6, $0x10;
	v17 =	vshrl.u32 v4, $0x10  }
0x60: {  	v10 =	vld [tilespmem:s22+$0x80];
	s24 =	sor.u32 $0x100, s23;
	v19 =	vshrl.u32 v7, $0x10;
	v20 =	vshrl.u32 v8, $0x10;
	v12 =	vand.u32 $0x1, v12  }
0x61: {  	s25 =	sadd.s32 $0x20, s6;
	s26 =	sor.u32 $0x180, s23;
	v14 =	vld [tilespmem:s24+$0x80];
	v11 =	vand.u32 $0x1, v11;
	v17 =	vand.u32 $0x1, v17;
	v13 =	vand.u32 $0x1, v13  }
0x62: {  	s28 =	sor.u32 $0x100, s25;
	v18 =	vld [tilespmem:s26+$0x80];
	v19 =	vand.u32 $0x1, v19;
	v15 =	vand.u32 $0x1, v15;
	v16 =	vand.u32 $0x1, v16  }
0x63: {  	s6 =	sadd.s32 $0x10, s6;
	s29 =	sor.u32 $0x180, s25;
	v21 =	vld [tilespmem:s28+$0x80];
	v20 =	vand.u32 $0x1, v20;
	v3 =	vadd.s32 v11, v3;
	v1 =	vadd.s32 v12, v1  }
0x64: {  	s30 =	sor.u32 $0x100, s6;
	v22 =	vld [tilespmem:s29+$0x80];
	v2 =	vadd.s32 v13, v2;
	v4 =	vadd.s32 v17, v4;
	v5 =	vadd.s32 v15, v5  }
0x65: {  	s6 =	sor.u32 $0x180, s6;
	v23 =	vld [tilespmem:s30+$0x80];
	v6 =	vadd.s32 v16, v6;
	v7 =	vadd.s32 v19, v7;
	v8 =	vadd.s32 v20, v8  }
0x66: {  	v26 =	vld [tilespmem:s6+$0x80];
	v24 =	vshrl.u32 v9, $0x10;
	v25 =	vshrl.u32 v10, $0x10;
	v1 =	vadd.s32 $0x7FFF, v1  }
0x67: {  	v2 =	vadd.s32 $0x7FFF, v2;
	v3 =	vadd.s32 $0x7FFF, v3;
	v62 =	vadd.s32 $0x7FFF, v4  }
0x68: {  	v63 =	vadd.s32 $0x7FFF, v5;
	v6 =	vadd.s32 $0x7FFF, v6;
	v7 =	vadd.s32 $0x7FFF, v7  }
0x69: {  	v27 =	vadd.s32 $0x7FFF, v8;
	v11 =	vshrl.u32 v14, $0x10;
	v12 =	vshrl.u32 v18, $0x10  }
0x6a: {  	v13 =	vshrl.u32 v21, $0x10;
	v15 =	vshrl.u32 v22, $0x10;
	v16 =	vand.u32 $0x1, v24  }
0x6b: {  	s5 =	sand.u32 $0x780, s5;
	v17 =	vshrl.u32 v23, $0x10;
	v19 =	vshrl.u32 v26, $0x10;
	v20 =	vand.u32 $0x1, v25  }
0x6c: {  	s5 =	sadd.s32 $0x2080, s5;
	v1 =	vand.u32 $0xFFFF0000, v1;
	v3 =	vand.u32 $0xFFFF0000, v3;
	v24 =	vand.u32 $0xFFFF0000, v62  }
0x6d: {  	s3 =	sor.u32 s18, s5;
	v2 =	vand.u32 $0xFFFF0000, v2;
	v25 =	vand.u32 $0xFFFF0000, v63;
	v29 =	vand.u32 $0xFFFF0000, v6  }
0x6e: {  	s4 =	sor.u32 s19, s5;
	v4 =	vld [tilespmem:s3+$0x0];
	v11 =	vand.u32 $0x1, v11;
	v12 =	vand.u32 $0x1, v12;
	v13 =	vand.u32 $0x1, v13  }
0x6f: {  	v5 =	vld [tilespmem:s4+$0x0];
	v15 =	vand.u32 $0x1, v15;
	v17 =	vand.u32 $0x1, v17;
	v28 =	vand.u32 $0x1, v19  }
0x70: {  	s2 =	sor.u32 s20, s5;
	v9 =	vadd.s32 v16, v9;
	v10 =	vadd.s32 v20, v10;
	v20 =	vand.u32 $0xFFFF0000, v7  }
0x71: {  	v8 =	vld [tilespmem:s2+$0x0];
	v11 =	vadd.s32 v11, v14;
	v12 =	vadd.s32 v12, v18;
	v13 =	vadd.s32 v13, v21  }
0x72: {  	s31 =	simm.s32 $0x0;
	v15 =	vadd.s32 v15, v22;
	v21 =	vand.u32 $0xFFFF0000, v27;
	v16 =	vadd.s32 v17, v23  }
0x73: {  	v19 =	vadd.s32 $0x7FFF, v9;
	v17 =	vadd.s32 v28, v26;
	v23 =	vadd.s32 $0x7FFF, v13;
	v13 =	vld [tilespmem:s31+$0x2080]  }
0x74: {  	v18 =	vadd.s32 $0x7FFF, v10;
	v6 =	vmul.f32 v1, v4;
	v10 =	vmul.f32 v3, v5  }
0x75: {  	v22 =	vadd.s32 $0x7FFF, v11;
	v7 =	vmul.f32 v2, v4;
	v9 =	vmul.f32 v24, v5  }
0x76: {  	v14 =	vadd.s32 $0x7FFF, v12;
	v12 =	vmul.f32 v25, v8;
	v11 =	vmul.f32 v29, v8  }
0x77: {  	s2 =	simm.s32 $0x0;
	s3 =	simm.s32 $0x100;
	s4 =	simm.s32 $0x40;
	v3 =	vimm.f32 $0.0e+00;
	v1 =	vimm.f32 $0.0e+00;
	v2 =	vimm.f32 $0.0e+00  }
.LBB2_4:
0x78: {  	s8 =	sand.u32 $0x40, s4;
	s5 =	sand.u32 $0x1E00, s3;
	v20 =	vmul.f32 v20, v13;
	v21 =	vmul.f32 v21, v13;
	v15 =	vadd.s32 $0x7FFF, v15  }
0x79: {  	v19 =	vand.u32 $0xFFFF0000, v19;
	v16 =	vadd.s32 $0x7FFF, v16;
	v17 =	vadd.s32 $0x7FFF, v17;
	s9 =	sor.u32 $0x80, s5;
	s5 =	sor.u32 $0x30, s8  }
0x7a: {  	v18 =	vand.u32 $0xFFFF0000, v18;
	v22 =	vand.u32 $0xFFFF0000, v22;
	v14 =	vand.u32 $0xFFFF0000, v14;
	s7 =	sor.u32 s5, s9  }
0x7b: {  	v23 =	vand.u32 $0xFFFF0000, v23;
	s6 =	sor.u32 $0x20, s8;
	v16 =	vand.u32 $0xFFFF0000, v16;
	v15 =	vand.u32 $0xFFFF0000, v15;
	v24 =	vld [tilespmem:s7+$0x0]  }
0x7c: {  	v19 =	vmul.f32 v19, v13;
	v13 =	vmul.f32 v18, v13;
	v17 =	vand.u32 $0xFFFF0000, v17;
	s10 =	sor.u32 s6, s9;
	v25 =	vld [tilespmem:s7+$0x80]  }
0x7d: {  	v0 =	vadd.f32 v20, v0;
	v3 =	vadd.f32 v21, v3;
	v16 =	vmul.f32 v16, v8;
	s7 =	sor.u32 $0x10, s8;
	v18 =	vld [tilespmem:s10+$0x0]  }
0x7e: {  	p1 =	por !p1, !p1;
	v8 =	vmul.f32 v17, v8;
	v1 =	vadd.f32 v19, v1;
	v2 =	vadd.f32 v13, v2;
	s11 =	sor.u32 s7, s9;
	v20 =	vld [tilespmem:s10+$0x80];
	s10 =	simm.s32 $0x1  }
0x7f: {  	v0 =	vadd.f32 v12, v0;
	v3 =	vadd.f32 v11, v3;
	v11 =	vmul.f32 v23, v5;
	s10 =	simm.s32 @!p1 $0x0;
	v13 =	vld [tilespmem:s11+$0x0]  }
0x80: {  	s8 =	sor.u32 s8, s9;
	v5 =	vmul.f32 v15, v5;
	v1 =	vadd.f32 v16, v1;
	v2 =	vadd.f32 v8, v2;
	s10 =	sshll.u32 s10, $0x6;
	v12 =	vld [tilespmem:s11+$0x80]  }
0x81: {  	v0 =	vadd.f32 v10, v0;
	v3 =	vadd.f32 v9, v3;
	v9 =	vmul.f32 v22, v4;
	s9 =	sadd.s32 s10, s3;
	v8 =	vld [tilespmem:s8+$0x0]  }
0x82: {  	v4 =	vmul.f32 v14, v4;
	v1 =	vadd.f32 v11, v1;
	v2 =	vadd.f32 v5, v2;
	v10 =	vld [tilespmem:s8+$0x80];
	s8 =	sor.u32 $0x100, s9  }
0x83: {  	v0 =	vadd.f32 v6, v0;
	v3 =	vadd.f32 v7, v3;
	s10 =	sadd.s32 $0x30, s9;
	v5 =	vld [tilespmem:s8+$0x80];
	s8 =	sor.u32 $0x180, s9  }
0x84: {  	v1 =	vadd.f32 v9, v1;
	v2 =	vadd.f32 v4, v2;
	v6 =	vld [tilespmem:s8+$0x80];
	s8 =	sor.u32 $0x100, s10  }
0x85: {  	v7 =	vshrl.u32 v24, $0x10;
	v9 =	vshrl.u32 v25, $0x10;
	v4 =	vshrl.u32 v18, $0x10;
	s11 =	sadd.s32 $0x20, s9;
	v11 =	vld [tilespmem:s8+$0x80];
	s8 =	sor.u32 $0x180, s10  }
0x86: {  	v16 =	vshrl.u32 v20, $0x10;
	v14 =	vshrl.u32 v13, $0x10;
	v15 =	vshrl.u32 v12, $0x10;
	s10 =	sor.u32 $0x100, s11;
	v17 =	vld [tilespmem:s8+$0x80]  }
0x87: {  	v7 =	vand.u32 $0x1, v7;
	v19 =	vshrl.u32 v8, $0x10;
	s8 =	sadd.s32 $0x10, s9;
	s9 =	sor.u32 $0x180, s11;
	v21 =	vshrl.u32 v10, $0x10;
	v22 =	vld [tilespmem:s10+$0x80]  }
0x88: {  	v9 =	vand.u32 $0x1, v9;
	v4 =	vand.u32 $0x1, v4;
	v16 =	vand.u32 $0x1, v16;
	s10 =	sor.u32 $0x100, s8;
	v23 =	vld [tilespmem:s9+$0x80]  }
0x89: {  	v14 =	vand.u32 $0x1, v14;
	v15 =	vand.u32 $0x1, v15;
	v19 =	vand.u32 $0x1, v19;
	s8 =	sor.u32 $0x180, s8;
	v26 =	vld [tilespmem:s10+$0x80]  }
0x8a: {  	v21 =	vand.u32 $0x1, v21;
	v27 =	vshrl.u32 v5, $0x10;
	v28 =	vshrl.u32 v6, $0x10;
	v29 =	vld [tilespmem:s8+$0x80]  }
0x8b: {  	v7 =	vadd.s32 v7, v24;
	v9 =	vadd.s32 v9, v25;
	v4 =	vadd.s32 v4, v18  }
0x8c: {  	v16 =	vadd.s32 v16, v20;
	v18 =	vshrl.u32 v11, $0x10;
	v20 =	vshrl.u32 v17, $0x10  }
0x8d: {  	v13 =	vadd.s32 v14, v13;
	v12 =	vadd.s32 v15, v12;
	v14 =	vshrl.u32 v22, $0x10  }
0x8e: {  	v8 =	vadd.s32 v19, v8;
	v10 =	vadd.s32 v21, v10;
	v15 =	vshrl.u32 v23, $0x10  }
0x8f: {  	v19 =	vand.u32 $0x1, v27;
	v21 =	vshrl.u32 v26, $0x10;
	v24 =	vshrl.u32 v29, $0x10  }
0x90: {  	v7 =	vadd.s32 $0x7FFF, v7;
	v9 =	vadd.s32 $0x7FFF, v9;
	v25 =	vand.u32 $0x1, v28  }
0x91: {  	v16 =	vadd.s32 $0x7FFF, v16;
	v27 =	vadd.s32 $0x7FFF, v4;
	v18 =	vand.u32 $0x1, v18  }
0x92: {  	v13 =	vadd.s32 $0x7FFF, v13;
	v12 =	vadd.s32 $0x7FFF, v12;
	s8 =	sand.u32 $0x780, s4;
	v20 =	vand.u32 $0x1, v20  }
0x93: {  	v28 =	vadd.s32 $0x7FFF, v8;
	s8 =	sadd.s32 $0x2080, s8;
	v14 =	vand.u32 $0x1, v14;
	v15 =	vand.u32 $0x1, v15  }
0x94: {  	s2 =	sadd.s32 $0x4, s2;
	v10 =	vadd.s32 $0x7FFF, v10;
	s5 =	sor.u32 s5, s8;
	v30 =	vand.u32 $0x1, v21;
	v24 =	vand.u32 $0x1, v24  }
0x95: {  	p2 =	slt.u32 s2, $0x7C;
	v19 =	vadd.s32 v19, v5;
	v25 =	vadd.s32 v25, v6;
	v6 =	vand.u32 $0xFFFF0000, v7;
	s6 =	sor.u32 s6, s8;
	v4 =	vld [tilespmem:s5+$0x0]  }
0x96: {  	v9 =	vand.u32 $0xFFFF0000, v9;
	v7 =	vand.u32 $0xFFFF0000, v27;
	v27 =	vand.u32 $0xFFFF0000, v16;
	v5 =	vld [tilespmem:s6+$0x0]  }
0x97: {  	v31 =	vand.u32 $0xFFFF0000, v13;
	v11 =	vadd.s32 v18, v11;
	v32 =	vadd.s32 v20, v17;
	s5 =	sor.u32 s7, s8  }
0x98: {  	v33 =	vand.u32 $0xFFFF0000, v12;
	v34 =	vadd.s32 v14, v22;
	v15 =	vadd.s32 v15, v23;
	s6 =	sshra.s32 s3, $0x2;
	v8 =	vld [tilespmem:s5+$0x0]  }
.Ltmp2:
0x99: {  	v20 =	vand.u32 $0xFFFF0000, v28;
	v21 =	vand.u32 $0xFFFF0000, v10;
	v16 =	vadd.s32 v30, v26;
	v13 =	vld [tilespmem:s6+$0x2080];
	(pc) =	sbr.rel @p2 .LBB2_4-.Ltmp2, $4  }
0x9a: {  	v19 =	vadd.s32 $0x7FFF, v19;
	v17 =	vadd.s32 v24, v29;
	v6 =	vmul.f32 v6, v4  }
0x9b: {  	v18 =	vadd.s32 $0x7FFF, v25;
	v10 =	vmul.f32 v7, v5;
	v7 =	vmul.f32 v9, v4  }
0x9c: {  	v22 =	vadd.s32 $0x7FFF, v11;
	v14 =	vadd.s32 $0x7FFF, v32;
	v9 =	vmul.f32 v27, v5  }
0x9d: {  	s4 =	sadd.s32 $0x40, s4;
	v23 =	vadd.s32 $0x7FFF, v34;
	s3 =	sadd.s32 $0x100, s3;
	v12 =	vmul.f32 v31, v8;
	v11 =	vmul.f32 v33, v8  }
0x9e: {  	v20 =	vmul.f32 v20, v13;
	v21 =	vmul.f32 v21, v13  }
0x9f: {  	v15 =	vadd.s32 $0x7FFF, v15;
	v19 =	vand.u32 $0xFFFF0000, v19;
	v16 =	vadd.s32 $0x7FFF, v16  }
0xa0: {  	v17 =	vadd.s32 $0x7FFF, v17;
	v18 =	vand.u32 $0xFFFF0000, v18;
	v22 =	vand.u32 $0xFFFF0000, v22  }
0xa1: {  	v23 =	vand.u32 $0xFFFF0000, v23;
	v16 =	vand.u32 $0xFFFF0000, v16;
	v0 =	vadd.f32 v20, v0  }
0xa2: {  	v19 =	vmul.f32 v19, v13;
	v48 =	vmul.f32 v18, v13;
	v17 =	vand.u32 $0xFFFF0000, v17  }
0xa3: {  	v3 =	vadd.f32 v21, v3;
	v16 =	vmul.f32 v16, v8;
	v0 =	vadd.f32 v12, v0  }
0xa4: {  	v49 =	vmul.f32 v17, v8;
	v1 =	vadd.f32 v19, v1;
	v2 =	vadd.f32 v48, v2  }
0xa5: {  	v50 =	vand.u32 $0xFFFF0000, v15;
	v3 =	vadd.f32 v11, v3;
	v0 =	vadd.f32 v10, v0  }
0xa6: {  	v51 =	vmul.f32 v23, v5;
	v1 =	vadd.f32 v16, v1;
	v2 =	vadd.f32 v49, v2  }
0xa7: {  	v52 =	vmul.f32 v50, v5;
	v3 =	vadd.f32 v9, v3;
	v0 =	vadd.f32 v6, v0  }
0xa8: {  	v53 =	vand.u32 $0xFFFF0000, v14;
	v54 =	vmul.f32 v22, v4;
	v1 =	vadd.f32 v51, v1  }
0xa9: {  	v55 =	vmul.f32 v53, v4;
	v2 =	vadd.f32 v52, v2;
	v3 =	vadd.f32 v7, v3;
	(xrf2) =	vadd.scan.msk.f32 $0xffff, v0  }
0xaa: {  	v56 =	vadd.f32 v54, v1  }
0xab: {  	v57 =	vadd.f32 v55, v2;
	(xrf2) =	vadd.scan.msk.f32 $0xffff, v3  }
0xac: {  	(xrf2) =	vadd.scan.msk.f32 $0xffff, v56  }
0xad: {  	(xrf2) =	vadd.scan.msk.f32 $0xffff, v57  }
0xae: {  	v58 =	vld [tilespmem:$0x2880];
	_ =	sdelay $0x4  }
0xaf: {  	(v2sf) =	vpush v58, $0x0;
	v59, _, _ =	vpop (xrf2)  }
0xb0: {  	(v2sf) =	vpush v59, $0xF  }
0xb1: {  	v60, _, _ =	vpop (xrf2)  }
0xb2: {  	v61, _, _ =	vpop (xrf2);
	(v2sf) =	vpush v60, $0xF  }
0xb3: {  	(v2sf) =	vpush v61, $0xF;
	v62, _, _ =	vpop (xrf2)  }
0xb4: {  	(v2sf) =	vpush v62, $0xF;
	_ =	sdelay $0x9  }
0xb5: {  	s2 =	spop (v2sf)  }
0xb6: {  	s3 =	spop (v2sf)  }
0xb7: {  	s3 =	sadd.f32 s2, s3  }
0xb8: {  	s4 =	spop (v2sf)  }
0xb9: {  	vm0 =	vcmask $0x300;
	s5 =	spop (v2sf);
	s4 =	sadd.f32 s2, s4;
	v63 =	vmov s3  }
0xba: {  	vm13 =	vcmask $0x704;
	s26 =	sadd.f32 s2, s5;
	s28 =	spop (v2sf);
	v0 =	vnsel vm0, $0x0, v63  }
0xbb: {  	vm14 =	vcmask $0xB08;
	s2 =	sadd.f32 s2, s28;
	v0 =	vsel vm13, s4, v0  }
0xbc: {  	vm15 =	vcmask $0xF0C;
	v0 =	vsel vm14, s26, v0  }
0xbd: {  	v0 =	vsel vm15, s2, v0  }
0xbe: {  	s29 =	simm.s32 $0x0;
	s30 =	simm.s32 $0x2900;
	s31 =	simm.s32 $0x3;
	[tilespmem:$0x2900] =	vst v0  }
0xbf: {  	[hbm4b:s1+s29] =	stream.linear.scatter [tilespmem:s30], [sflag:$0x3], $0x4, $0x38;
	[tilespmem:$0x2980] =	vst v63  }
0xc0: {  	_ =	swait.ge [sflag:s31], $0x4  }
0xc1: {  	[sflag:s31] =	ssyncset.done $0x0  }
0xc2: {  	[sflag:s31] =	ssyncadd.s32 $0xFFFFFFFC  }
.LBB2_6:
0xc3: {  	_ =	sfence.sel $0x180000  }
0xc4: {  	[bflag:$0x0] =	sbarrier.arrive $0xFFFF  }
0xc5: {  	_ =	strace $0x90000047  }
0xc6: {  	s0 =	sadd.s32 @!p0 $0x100000, s0;
	[bflag:$0x2] =	sbarrier.arrive $0xFFFF  }
0xc7: {  	[sflag:s0] =	ssyncadd.tile.s32 @!p0 $0x1;
	_ =	shalt  }
.Lfunc_end2:
_tile_overlayer_lowered:
.L_overlay_start_2:
0xc8: {  	(tag) =	ssettag $0x2  }
0xc9: {  	s0 =	rddreg [dreg:$0x0];
	s2 =	stileid.u32  }
0xca: {  	s1 =	rddreg [dreg:$0x1];
	p0 =	sne.s32 s2, $0x0  }
0xcb: {  	s3 =	rddreg [dreg:$0x2];
	[bflag:$0x3] =	sbarrier.arrive $0xFFFF;
	s2 =	simm.s32 @!p0 $0x1C03  }
0xcc: {  	[timem:s3], [sflag:s2] =	dma.local @!p0 [hbm:s0], s1  }
0xcd: {  	s0 =	simm.s32 @!p0 $0x3  }
0xce: {  	_ =	swait.ge @!p0 [sflag:s0], s1  }
0xcf: {  	s1 =	ssub.s32 @!p0 $0x0, s1;
	[sflag:s0] =	ssyncset.done @!p0 $0x0  }
0xd0: {  	[sflag:s0] =	ssyncadd.s32 @!p0 s1  }
0xd1: {  	[bflag:$0x3] =	sbarrier.arrive $0xFFFF  }
0xd2: {  	_ =	shalt  }

</sc_bundles>
